<compile_context>
chip_gen: v7x
topology: tpu7x:2x2x1
jax: 0.10.2.dev20260603
libtpu: 0.0.44.dev20260713+nightly
codegen_flags: <defaults>
</compile_context>

<pallas_src>
import functools

import jax
import jax.numpy as jnp
from jax import lax
from jax.experimental import pallas as pl
from jax.experimental.pallas import tpu as pltpu

_K = 8
_BANDWIDTH = 0.05
_TEMP = 2.0 * _BANDWIDTH ** 2 + 1e-08
_INIT_ID = 1.0e7
_BIG_ID = 2.0e7


def _extract8(allv, alli):
    vs, idxs = [], []
    for _ in range(_K):
        m = jnp.min(allv, axis=1, keepdims=True)
        am = jnp.min(jnp.where(allv == m, alli, jnp.full_like(alli, _BIG_ID)),
                     axis=1, keepdims=True)
        vs.append(m)
        idxs.append(am)
        allv = jnp.where(alli == am, jnp.inf, allv)
    return jnp.concatenate(vs, axis=1), jnp.concatenate(idxs, axis=1)


def _topk_body(pt_ref, pb_ref, q_ref, v_ref, i_ref, *, n_real, cblk,
               n_chunks):
    q = q_ref[...]
    qblk = q.shape[0]
    qn = (q[:, 0:1] * q[:, 0:1] + q[:, 1:2] * q[:, 1:2]
          + q[:, 2:3] * q[:, 2:3])
    q8 = jnp.concatenate([q, jnp.zeros((qblk, 5), jnp.float32)],
                         axis=1).astype(jnp.bfloat16)

    def step(c, carry):
        bv, bi = carry
        base = c * cblk
        pch = pt_ref[:, pl.ds(base, cblk)]
        pn = pch[0] * pch[0] + pch[1] * pch[1] + pch[2] * pch[2]
        cross = lax.dot_general(q8, pb_ref[:, pl.ds(base, cblk)],
                                (((1,), (0,)), ((), ())),
                                preferred_element_type=jnp.float32)
        d = jnp.maximum(qn + pn[None, :] - 2.0 * cross, 0.0)
        ids = base + lax.broadcasted_iota(jnp.int32, (qblk, cblk),
                                          1).astype(jnp.float32)
        d = jnp.where(ids < n_real, d, jnp.inf)
        cv, ci = _extract8(d, ids)
        mv, mi = _extract8(jnp.concatenate([bv, cv], axis=1),
                           jnp.concatenate([bi, ci], axis=1))
        return mv, mi

    bv0 = jnp.full((qblk, _K), jnp.inf, dtype=jnp.float32)
    bi0 = _INIT_ID + lax.broadcasted_iota(jnp.int32, (qblk, _K),
                                          1).astype(jnp.float32)
    bv, bi = lax.fori_loop(0, n_chunks, step, (bv0, bi0))
    v_ref[...] = bv
    i_ref[...] = bi.astype(jnp.int32)


def _run_topk(positions, coords):
    n = positions.shape[0]
    qn = coords.shape[0]
    cblk = 16384 if n >= 16384 else 128
    n_chunks = -(-n // cblk)
    npad = n_chunks * cblk
    pt = jnp.pad(jnp.transpose(positions), ((0, 0), (0, npad - n)))
    pb = jnp.pad(pt, ((0, 5), (0, 0))).astype(jnp.bfloat16)
    qblk = 128 if qn % 128 == 0 else qn
    grid = (qn // qblk,)
    body = functools.partial(_topk_body, n_real=n, cblk=cblk,
                             n_chunks=n_chunks)
    return pl.pallas_call(
        body,
        grid=grid,
        in_specs=[
            pl.BlockSpec((3, npad), lambda g: (0, 0)),
            pl.BlockSpec((8, npad), lambda g: (0, 0)),
            pl.BlockSpec((qblk, 3), lambda g: (g, 0)),
        ],
        out_specs=[
            pl.BlockSpec((qblk, _K), lambda g: (g, 0)),
            pl.BlockSpec((qblk, _K), lambda g: (g, 0)),
        ],
        out_shape=[
            jax.ShapeDtypeStruct((qn, _K), jnp.float32),
            jax.ShapeDtypeStruct((qn, _K), jnp.int32),
        ],
        compiler_params=pltpu.CompilerParams(
            dimension_semantics=("arbitrary",)),
    )(pt, pb, coords)


def kernel(positions, coords, features):
    positions = positions.astype(jnp.float32)
    coords = coords.astype(jnp.float32)
    topv, topi = _run_topk(positions, coords)
    w = jax.nn.softmax(-topv / _TEMP, axis=1)
    out = jnp.sum(w[..., None] * features[topi], axis=1)
    return out.astype(coords.dtype)

# --- scband reference (transcript-rebuilt; emitter-appended) ---
"""Pipeline reference for scband-bridge-39505109188914 (READ-ONLY COPY).

The authoritative reference and input builder live on the scoring server;
editing this copy changes nothing except your own understanding.
"""

import jax, jax.numpy as jnp
import numpy as np

K = 8
CHUNK_SIZE = 4096
BANDWIDTH = 0.05
EPS = 1e-08
TEMP = 2.0 * BANDWIDTH ** 2


def setup_inputs(seed: int = 0) -> dict:
    key = jax.random.key(seed)
    k1, k2, k3 = jax.random.split(key, 3)
    positions = jax.random.normal(k1, (100000, 3), dtype=jnp.float32)
    coords = jax.random.normal(k2, (4096, 3), dtype=jnp.float32)
    features = jax.random.normal(k3, (100000, 64), dtype=jnp.float32)
    return {"positions": positions, "coords": coords, "features": features}


def reference(positions, coords, features):
    B = coords.shape[0]
    outputs = []
    for start in range(0, B, CHUNK_SIZE):
        end = min(start + CHUNK_SIZE, B)
        q = coords[start:end]
        # squared euclidean distance, equivalent to torch.cdist(q, positions, p=2).pow(2)
        sqdist = (jnp.sum(q * q, axis=1, keepdims=True)
                  + jnp.sum(positions * positions, axis=1)[None, :]
                  - 2.0 * q @ positions.T)
        sqdist = jnp.maximum(sqdist, 0.0)
        # smallest-k via top_k on negated distances
        neg_vals, top_idx = jax.lax.top_k(-sqdist, K)
        top_sqdist = -neg_vals
        # anchors.scores_for: Gaussian kernel log-scores -d^2 / (2*bandwidth^2)
        scores = -top_sqdist / (TEMP + EPS)
        w = jax.nn.softmax(scores, axis=1)[..., None]
        out = jnp.sum(w * features[top_idx], axis=1).astype(coords.dtype)
        outputs.append(out)
    return jnp.concatenate(outputs, axis=0)

if __name__ == "__main__":
    import jax
    _d = setup_inputs()
    print(jax.jit(kernel)(*tuple(_d.values())))

</pallas_src>

<mosaic_0001>
module attributes {stable_mosaic.version = 14 : i64} {
  func.func @_topk_body(%arg0: i32, %arg1: memref<3x114688xf32, #tpu.memory_space<vmem>>, %arg2: memref<8x114688xbf16, #tpu.memory_space<vmem>>, %arg3: memref<128x3xf32, #tpu.memory_space<vmem>>, %arg4: memref<128x8xf32, #tpu.memory_space<vmem>>, %arg5: memref<128x8xi32, #tpu.memory_space<vmem>>) attributes {dimension_semantics = [#tpu.dimension_semantics<arbitrary>], iteration_bounds = array<i64: 32>, scalar_prefetch = 0 : i64, scratch_operands = 0 : i64, tpu.core_type = #tpu.core_type<tc>, window_params = [{pipeline_mode = #tpu.pipeline_mode<synchronous>, transform_indices = @transform_0, window_bounds = array<i64: 3, 114688>}, {pipeline_mode = #tpu.pipeline_mode<synchronous>, transform_indices = @transform_1, window_bounds = array<i64: 8, 114688>}, {transform_indices = @transform_2, window_bounds = array<i64: 128, 3>}, {transform_indices = @transform_3, window_bounds = array<i64: 128, 8>}, {transform_indices = @transform_4, window_bounds = array<i64: 128, 8>}]} {
    %get3A = arith.constant 0 : index
    %get3A_0 = arith.constant 0 : index
    %get3A_1 = vector.load %arg3[%get3A, %get3A_0] : memref<128x3xf32, #tpu.memory_space<vmem>>, vector<128x3xf32>
    %slice3A = vector.extract_strided_slice %get3A_1 {offsets = [0, 0], sizes = [128, 1], strides = [1, 1]} : vector<128x3xf32> to vector<128x1xf32>
    %slice3A_2 = vector.extract_strided_slice %get3A_1 {offsets = [0, 0], sizes = [128, 1], strides = [1, 1]} : vector<128x3xf32> to vector<128x1xf32>
    %mul3A = arith.mulf %slice3A, %slice3A_2 : vector<128x1xf32>
    %slice3A_3 = vector.extract_strided_slice %get3A_1 {offsets = [0, 1], sizes = [128, 1], strides = [1, 1]} : vector<128x3xf32> to vector<128x1xf32>
    %slice3A_4 = vector.extract_strided_slice %get3A_1 {offsets = [0, 1], sizes = [128, 1], strides = [1, 1]} : vector<128x3xf32> to vector<128x1xf32>
    %mul3A_5 = arith.mulf %slice3A_3, %slice3A_4 : vector<128x1xf32>
    %add3A = arith.addf %mul3A, %mul3A_5 : vector<128x1xf32>
    %slice3A_6 = vector.extract_strided_slice %get3A_1 {offsets = [0, 2], sizes = [128, 1], strides = [1, 1]} : vector<128x3xf32> to vector<128x1xf32>
    %slice3A_7 = vector.extract_strided_slice %get3A_1 {offsets = [0, 2], sizes = [128, 1], strides = [1, 1]} : vector<128x3xf32> to vector<128x1xf32>
    %mul3A_8 = arith.mulf %slice3A_6, %slice3A_7 : vector<128x1xf32>
    %add3A_9 = arith.addf %add3A, %mul3A_8 : vector<128x1xf32>
    %broadcast_in_dim3A = arith.constant 0.000000e+00 : f32
    %broadcast_in_dim3A_10 = vector.broadcast %broadcast_in_dim3A : f32 to vector<128x5xf32>
    %concatenate3A = tpu.concatenate %get3A_1, %broadcast_in_dim3A_10 in 1 : vector<128x3xf32>, vector<128x5xf32> -> vector<128x8xf32>
    %convert_element_type3A = arith.truncf %concatenate3A : vector<128x8xf32> to vector<128x8xbf16>
    %broadcast_in_dim3A_11 = arith.constant 0x7F800000 : f32
    %broadcast_in_dim3A_12 = vector.broadcast %broadcast_in_dim3A_11 : f32 to vector<128x8xf32>
    %iota3A = tpu.iota {dimensions = array<i32: 1>} : vector<128x8xi32>
    %convert_element_type3A_13 = arith.sitofp %iota3A : vector<128x8xi32> to vector<128x8xf32>
    %add3A_14 = arith.constant 1.000000e+07 : f32
    %add3A_15 = vector.broadcast %add3A_14 : f32 to vector<128x8xf32>
    %add3A_16 = arith.addf %add3A_15, %convert_element_type3A_13 : vector<128x8xf32>
    %scan3A = arith.constant 0 : i32
    %scan3A_17 = arith.constant 7 : i32
    %scan3A_18 = arith.addi %scan3A, %scan3A_17 : i32
    %scan3A_19 = arith.constant 1 : i32
    %scan3A_20:2 = scf.for %scan3A_28 = %scan3A to %scan3A_18 step %scan3A_19 iter_args(%scan3A_29 = %broadcast_in_dim3A_12, %scan3A_30 = %add3A_16) -> (vector<128x8xf32>, vector<128x8xf32>)  : i32 {
      %mul3A_31 = arith.constant 16384 : i32
      %mul3A_32 = arith.muli %scan3A_28, %mul3A_31 : i32
      %get3A_33 = arith.constant 0 : index
      %get3A_34 = arith.index_cast %mul3A_32 : i32 to index
      %get3A_35 = vector.load %arg1[%get3A_33, %get3A_34] : memref<3x114688xf32, #tpu.memory_space<vmem>>, vector<3x16384xf32>
      %slice3A_36 = vector.extract_strided_slice %get3A_35 {offsets = [0, 0], sizes = [1, 16384], strides = [1, 1]} : vector<3x16384xf32> to vector<1x16384xf32>
      %squeeze3A = vector.shape_cast %slice3A_36 : vector<1x16384xf32> to vector<16384xf32>
      %slice3A_37 = vector.extract_strided_slice %get3A_35 {offsets = [0, 0], sizes = [1, 16384], strides = [1, 1]} : vector<3x16384xf32> to vector<1x16384xf32>
      %squeeze3A_38 = vector.shape_cast %slice3A_37 : vector<1x16384xf32> to vector<16384xf32>
      %mul3A_39 = arith.mulf %squeeze3A, %squeeze3A_38 : vector<16384xf32>
      %slice3A_40 = vector.extract_strided_slice %get3A_35 {offsets = [1, 0], sizes = [1, 16384], strides = [1, 1]} : vector<3x16384xf32> to vector<1x16384xf32>
      %squeeze3A_41 = vector.shape_cast %slice3A_40 : vector<1x16384xf32> to vector<16384xf32>
      %slice3A_42 = vector.extract_strided_slice %get3A_35 {offsets = [1, 0], sizes = [1, 16384], strides = [1, 1]} : vector<3x16384xf32> to vector<1x16384xf32>
      %squeeze3A_43 = vector.shape_cast %slice3A_42 : vector<1x16384xf32> to vector<16384xf32>
      %mul3A_44 = arith.mulf %squeeze3A_41, %squeeze3A_43 : vector<16384xf32>
      %add3A_45 = arith.addf %mul3A_39, %mul3A_44 : vector<16384xf32>
      %slice3A_46 = vector.extract_strided_slice %get3A_35 {offsets = [2, 0], sizes = [1, 16384], strides = [1, 1]} : vector<3x16384xf32> to vector<1x16384xf32>
      %squeeze3A_47 = vector.shape_cast %slice3A_46 : vector<1x16384xf32> to vector<16384xf32>
      %slice3A_48 = vector.extract_strided_slice %get3A_35 {offsets = [2, 0], sizes = [1, 16384], strides = [1, 1]} : vector<3x16384xf32> to vector<1x16384xf32>
      %squeeze3A_49 = vector.shape_cast %slice3A_48 : vector<1x16384xf32> to vector<16384xf32>
      %mul3A_50 = arith.mulf %squeeze3A_47, %squeeze3A_49 : vector<16384xf32>
      %add3A_51 = arith.addf %add3A_45, %mul3A_50 : vector<16384xf32>
      %get3A_52 = arith.constant 0 : index
      %get3A_53 = arith.index_cast %mul3A_32 : i32 to index
      %get3A_54 = vector.load %arg2[%get3A_52, %get3A_53] : memref<8x114688xbf16, #tpu.memory_space<vmem>>, vector<8x16384xbf16>
      %dot_general3A = arith.constant dense<0.000000e+00> : vector<128x16384xf32>
      %dot_general3A_55 = tpu.matmul %convert_element_type3A, %get3A_54, %dot_general3A {dimension_numbers = #tpu.dot_dimension_numbers<[1], [0], [0], [1], [0, 0, 1, 1], [], []>, transpose_lhs_hint = false} : vector<128x8xbf16>, vector<8x16384xbf16>, vector<128x16384xf32> -> vector<128x16384xf32>
      %broadcast_in_dim3A_56 = vector.shape_cast %add3A_51 : vector<16384xf32> to vector<1x16384xf32>
      %add3A_57 = vector.broadcast %add3A_9 : vector<128x1xf32> to vector<128x16384xf32>
      %add3A_58 = vector.broadcast %broadcast_in_dim3A_56 : vector<1x16384xf32> to vector<128x16384xf32>
      %add3A_59 = arith.addf %add3A_57, %add3A_58 : vector<128x16384xf32>
      %mul3A_60 = arith.constant 2.000000e+00 : f32
      %mul3A_61 = vector.broadcast %mul3A_60 : f32 to vector<128x16384xf32>
      %mul3A_62 = arith.mulf %mul3A_61, %dot_general3A_55 : vector<128x16384xf32>
      %sub3A = arith.subf %add3A_59, %mul3A_62 : vector<128x16384xf32>
      %max3A = arith.constant 0.000000e+00 : f32
      %max3A_63 = vector.broadcast %max3A : f32 to vector<128x16384xf32>
      %max3A_64 = arith.maximumf %sub3A, %max3A_63 : vector<128x16384xf32>
      %iota3A_65 = tpu.iota {dimensions = array<i32: 1>} : vector<128x16384xi32>
      %convert_element_type3A_66 = arith.sitofp %iota3A_65 : vector<128x16384xi32> to vector<128x16384xf32>
      %convert_element_type3A_67 = arith.sitofp %mul3A_32 : i32 to f32
      %add3A_68 = vector.broadcast %convert_element_type3A_67 : f32 to vector<128x16384xf32>
      %add3A_69 = arith.addf %add3A_68, %convert_element_type3A_66 : vector<128x16384xf32>
      %lt3A = arith.constant 1.000000e+05 : f32
      %lt3A_70 = vector.broadcast %lt3A : f32 to vector<128x16384xf32>
      %lt3A_71 = arith.cmpf olt, %add3A_69, %lt3A_70 : vector<128x16384xf32>
      %jit3A = arith.constant 0x7F800000 : f32
      %broadcast_in_dim3A_72 = vector.broadcast %jit3A : f32 to vector<128x16384xf32>
      %select_n3A = arith.select %lt3A_71, %max3A_64, %broadcast_in_dim3A_72 : vector<128x16384xi1>, vector<128x16384xf32>
      %reduce_min3A = arith.constant dense<0x7F800000> : vector<128xf32>
      %reduce_min3A_73 = vector.multi_reduction <minimumf>, %select_n3A, %reduce_min3A [1] : vector<128x16384xf32> to vector<128xf32>
      %broadcast_in_dim3A_74 = vector.shape_cast %reduce_min3A_73 : vector<128xf32> to vector<128x1xf32>
      %eq3A = vector.broadcast %broadcast_in_dim3A_74 : vector<128x1xf32> to vector<128x16384xf32>
      %eq3A_75 = arith.cmpf oeq, %select_n3A, %eq3A : vector<128x16384xf32>
      %broadcast_in_dim3A_76 = arith.constant 2.000000e+07 : f32
      %broadcast_in_dim3A_77 = vector.broadcast %broadcast_in_dim3A_76 : f32 to vector<128x16384xf32>
      %select_n3A_78 = arith.select %eq3A_75, %add3A_69, %broadcast_in_dim3A_77 : vector<128x16384xi1>, vector<128x16384xf32>
      %reduce_min3A_79 = arith.constant dense<0x7F800000> : vector<128xf32>
      %reduce_min3A_80 = vector.multi_reduction <minimumf>, %select_n3A_78, %reduce_min3A_79 [1] : vector<128x16384xf32> to vector<128xf32>
      %broadcast_in_dim3A_81 = vector.shape_cast %reduce_min3A_80 : vector<128xf32> to vector<128x1xf32>
      %eq3A_82 = vector.broadcast %broadcast_in_dim3A_81 : vector<128x1xf32> to vector<128x16384xf32>
      %eq3A_83 = arith.cmpf oeq, %add3A_69, %eq3A_82 : vector<128x16384xf32>
      %jit3A_84 = arith.constant 0x7F800000 : f32
      %broadcast_in_dim3A_85 = vector.broadcast %jit3A_84 : f32 to vector<128x16384xf32>
      %select_n3A_86 = arith.select %eq3A_83, %broadcast_in_dim3A_85, %select_n3A : vector<128x16384xi1>, vector<128x16384xf32>
      %reduce_min3A_87 = arith.constant dense<0x7F800000> : vector<128xf32>
      %reduce_min3A_88 = vector.multi_reduction <minimumf>, %select_n3A_86, %reduce_min3A_87 [1] : vector<128x16384xf32> to vector<128xf32>
      %broadcast_in_dim3A_89 = vector.shape_cast %reduce_min3A_88 : vector<128xf32> to vector<128x1xf32>
      %eq3A_90 = vector.broadcast %broadcast_in_dim3A_89 : vector<128x1xf32> to vector<128x16384xf32>
      %eq3A_91 = arith.cmpf oeq, %select_n3A_86, %eq3A_90 : vector<128x16384xf32>
      %broadcast_in_dim3A_92 = arith.constant 2.000000e+07 : f32
      %broadcast_in_dim3A_93 = vector.broadcast %broadcast_in_dim3A_92 : f32 to vector<128x16384xf32>
      %select_n3A_94 = arith.select %eq3A_91, %add3A_69, %broadcast_in_dim3A_93 : vector<128x16384xi1>, vector<128x16384xf32>
      %reduce_min3A_95 = arith.constant dense<0x7F800000> : vector<128xf32>
      %reduce_min3A_96 = vector.multi_reduction <minimumf>, %select_n3A_94, %reduce_min3A_95 [1] : vector<128x16384xf32> to vector<128xf32>
      %broadcast_in_dim3A_97 = vector.shape_cast %reduce_min3A_96 : vector<128xf32> to vector<128x1xf32>
      %eq3A_98 = vector.broadcast %broadcast_in_dim3A_97 : vector<128x1xf32> to vector<128x16384xf32>
      %eq3A_99 = arith.cmpf oeq, %add3A_69, %eq3A_98 : vector<128x16384xf32>
      %jit3A_100 = arith.constant 0x7F800000 : f32
      %broadcast_in_dim3A_101 = vector.broadcast %jit3A_100 : f32 to vector<128x16384xf32>
      %select_n3A_102 = arith.select %eq3A_99, %broadcast_in_dim3A_101, %select_n3A_86 : vector<128x16384xi1>, vector<128x16384xf32>
      %reduce_min3A_103 = arith.constant dense<0x7F800000> : vector<128xf32>
      %reduce_min3A_104 = vector.multi_reduction <minimumf>, %select_n3A_102, %reduce_min3A_103 [1] : vector<128x16384xf32> to vector<128xf32>
      %broadcast_in_dim3A_105 = vector.shape_cast %reduce_min3A_104 : vector<128xf32> to vector<128x1xf32>
      %eq3A_106 = vector.broadcast %broadcast_in_dim3A_105 : vector<128x1xf32> to vector<128x16384xf32>
      %eq3A_107 = arith.cmpf oeq, %select_n3A_102, %eq3A_106 : vector<128x16384xf32>
      %broadcast_in_dim3A_108 = arith.constant 2.000000e+07 : f32
      %broadcast_in_dim3A_109 = vector.broadcast %broadcast_in_dim3A_108 : f32 to vector<128x16384xf32>
      %select_n3A_110 = arith.select %eq3A_107, %add3A_69, %broadcast_in_dim3A_109 : vector<128x16384xi1>, vector<128x16384xf32>
      %reduce_min3A_111 = arith.constant dense<0x7F800000> : vector<128xf32>
      %reduce_min3A_112 = vector.multi_reduction <minimumf>, %select_n3A_110, %reduce_min3A_111 [1] : vector<128x16384xf32> to vector<128xf32>
      %broadcast_in_dim3A_113 = vector.shape_cast %reduce_min3A_112 : vector<128xf32> to vector<128x1xf32>
      %eq3A_114 = vector.broadcast %broadcast_in_dim3A_113 : vector<128x1xf32> to vector<128x16384xf32>
      %eq3A_115 = arith.cmpf oeq, %add3A_69, %eq3A_114 : vector<128x16384xf32>
      %jit3A_116 = arith.constant 0x7F800000 : f32
      %broadcast_in_dim3A_117 = vector.broadcast %jit3A_116 : f32 to vector<128x16384xf32>
      %select_n3A_118 = arith.select %eq3A_115, %broadcast_in_dim3A_117, %select_n3A_102 : vector<128x16384xi1>, vector<128x16384xf32>
      %reduce_min3A_119 = arith.constant dense<0x7F800000> : vector<128xf32>
      %reduce_min3A_120 = vector.multi_reduction <minimumf>, %select_n3A_118, %reduce_min3A_119 [1] : vector<128x16384xf32> to vector<128xf32>
      %broadcast_in_dim3A_121 = vector.shape_cast %reduce_min3A_120 : vector<128xf32> to vector<128x1xf32>
      %eq3A_122 = vector.broadcast %broadcast_in_dim3A_121 : vector<128x1xf32> to vector<128x16384xf32>
      %eq3A_123 = arith.cmpf oeq, %select_n3A_118, %eq3A_122 : vector<128x16384xf32>
      %broadcast_in_dim3A_124 = arith.constant 2.000000e+07 : f32
      %broadcast_in_dim3A_125 = vector.broadcast %broadcast_in_dim3A_124 : f32 to vector<128x16384xf32>
      %select_n3A_126 = arith.select %eq3A_123, %add3A_69, %broadcast_in_dim3A_125 : vector<128x16384xi1>, vector<128x16384xf32>
      %reduce_min3A_127 = arith.constant dense<0x7F800000> : vector<128xf32>
      %reduce_min3A_128 = vector.multi_reduction <minimumf>, %select_n3A_126, %reduce_min3A_127 [1] : vector<128x16384xf32> to vector<128xf32>
      %broadcast_in_dim3A_129 = vector.shape_cast %reduce_min3A_128 : vector<128xf32> to vector<128x1xf32>
      %eq3A_130 = vector.broadcast %broadcast_in_dim3A_129 : vector<128x1xf32> to vector<128x16384xf32>
      %eq3A_131 = arith.cmpf oeq, %add3A_69, %eq3A_130 : vector<128x16384xf32>
      %jit3A_132 = arith.constant 0x7F800000 : f32
      %broadcast_in_dim3A_133 = vector.broadcast %jit3A_132 : f32 to vector<128x16384xf32>
      %select_n3A_134 = arith.select %eq3A_131, %broadcast_in_dim3A_133, %select_n3A_118 : vector<128x16384xi1>, vector<128x16384xf32>
      %reduce_min3A_135 = arith.constant dense<0x7F800000> : vector<128xf32>
      %reduce_min3A_136 = vector.multi_reduction <minimumf>, %select_n3A_134, %reduce_min3A_135 [1] : vector<128x16384xf32> to vector<128xf32>
      %broadcast_in_dim3A_137 = vector.shape_cast %reduce_min3A_136 : vector<128xf32> to vector<128x1xf32>
      %eq3A_138 = vector.broadcast %broadcast_in_dim3A_137 : vector<128x1xf32> to vector<128x16384xf32>
      %eq3A_139 = arith.cmpf oeq, %select_n3A_134, %eq3A_138 : vector<128x16384xf32>
      %broadcast_in_dim3A_140 = arith.constant 2.000000e+07 : f32
      %broadcast_in_dim3A_141 = vector.broadcast %broadcast_in_dim3A_140 : f32 to vector<128x16384xf32>
      %select_n3A_142 = arith.select %eq3A_139, %add3A_69, %broadcast_in_dim3A_141 : vector<128x16384xi1>, vector<128x16384xf32>
      %reduce_min3A_143 = arith.constant dense<0x7F800000> : vector<128xf32>
      %reduce_min3A_144 = vector.multi_reduction <minimumf>, %select_n3A_142, %reduce_min3A_143 [1] : vector<128x16384xf32> to vector<128xf32>
      %broadcast_in_dim3A_145 = vector.shape_cast %reduce_min3A_144 : vector<128xf32> to vector<128x1xf32>
      %eq3A_146 = vector.broadcast %broadcast_in_dim3A_145 : vector<128x1xf32> to vector<128x16384xf32>
      %eq3A_147 = arith.cmpf oeq, %add3A_69, %eq3A_146 : vector<128x16384xf32>
      %jit3A_148 = arith.constant 0x7F800000 : f32
      %broadcast_in_dim3A_149 = vector.broadcast %jit3A_148 : f32 to vector<128x16384xf32>
      %select_n3A_150 = arith.select %eq3A_147, %broadcast_in_dim3A_149, %select_n3A_134 : vector<128x16384xi1>, vector<128x16384xf32>
      %reduce_min3A_151 = arith.constant dense<0x7F800000> : vector<128xf32>
      %reduce_min3A_152 = vector.multi_reduction <minimumf>, %select_n3A_150, %reduce_min3A_151 [1] : vector<128x16384xf32> to vector<128xf32>
      %broadcast_in_dim3A_153 = vector.shape_cast %reduce_min3A_152 : vector<128xf32> to vector<128x1xf32>
      %eq3A_154 = vector.broadcast %broadcast_in_dim3A_153 : vector<128x1xf32> to vector<128x16384xf32>
      %eq3A_155 = arith.cmpf oeq, %select_n3A_150, %eq3A_154 : vector<128x16384xf32>
      %broadcast_in_dim3A_156 = arith.constant 2.000000e+07 : f32
      %broadcast_in_dim3A_157 = vector.broadcast %broadcast_in_dim3A_156 : f32 to vector<128x16384xf32>
      %select_n3A_158 = arith.select %eq3A_155, %add3A_69, %broadcast_in_dim3A_157 : vector<128x16384xi1>, vector<128x16384xf32>
      %reduce_min3A_159 = arith.constant dense<0x7F800000> : vector<128xf32>
      %reduce_min3A_160 = vector.multi_reduction <minimumf>, %select_n3A_158, %reduce_min3A_159 [1] : vector<128x16384xf32> to vector<128xf32>
      %broadcast_in_dim3A_161 = vector.shape_cast %reduce_min3A_160 : vector<128xf32> to vector<128x1xf32>
      %eq3A_162 = vector.broadcast %broadcast_in_dim3A_161 : vector<128x1xf32> to vector<128x16384xf32>
      %eq3A_163 = arith.cmpf oeq, %add3A_69, %eq3A_162 : vector<128x16384xf32>
      %jit3A_164 = arith.constant 0x7F800000 : f32
      %broadcast_in_dim3A_165 = vector.broadcast %jit3A_164 : f32 to vector<128x16384xf32>
      %select_n3A_166 = arith.select %eq3A_163, %broadcast_in_dim3A_165, %select_n3A_150 : vector<128x16384xi1>, vector<128x16384xf32>
      %reduce_min3A_167 = arith.constant dense<0x7F800000> : vector<128xf32>
      %reduce_min3A_168 = vector.multi_reduction <minimumf>, %select_n3A_166, %reduce_min3A_167 [1] : vector<128x16384xf32> to vector<128xf32>
      %broadcast_in_dim3A_169 = vector.shape_cast %reduce_min3A_168 : vector<128xf32> to vector<128x1xf32>
      %eq3A_170 = vector.broadcast %broadcast_in_dim3A_169 : vector<128x1xf32> to vector<128x16384xf32>
      %eq3A_171 = arith.cmpf oeq, %select_n3A_166, %eq3A_170 : vector<128x16384xf32>
      %broadcast_in_dim3A_172 = arith.constant 2.000000e+07 : f32
      %broadcast_in_dim3A_173 = vector.broadcast %broadcast_in_dim3A_172 : f32 to vector<128x16384xf32>
      %select_n3A_174 = arith.select %eq3A_171, %add3A_69, %broadcast_in_dim3A_173 : vector<128x16384xi1>, vector<128x16384xf32>
      %reduce_min3A_175 = arith.constant dense<0x7F800000> : vector<128xf32>
      %reduce_min3A_176 = vector.multi_reduction <minimumf>, %select_n3A_174, %reduce_min3A_175 [1] : vector<128x16384xf32> to vector<128xf32>
      %broadcast_in_dim3A_177 = vector.shape_cast %reduce_min3A_176 : vector<128xf32> to vector<128x1xf32>
      %eq3A_178 = vector.broadcast %broadcast_in_dim3A_177 : vector<128x1xf32> to vector<128x16384xf32>
      %eq3A_179 = arith.cmpf oeq, %add3A_69, %eq3A_178 : vector<128x16384xf32>
      %jit3A_180 = arith.constant 0x7F800000 : f32
      %broadcast_in_dim3A_181 = vector.broadcast %jit3A_180 : f32 to vector<128x16384xf32>
      %select_n3A_182 = arith.select %eq3A_179, %broadcast_in_dim3A_181, %select_n3A_166 : vector<128x16384xi1>, vector<128x16384xf32>
      %reduce_min3A_183 = arith.constant dense<0x7F800000> : vector<128xf32>
      %reduce_min3A_184 = vector.multi_reduction <minimumf>, %select_n3A_182, %reduce_min3A_183 [1] : vector<128x16384xf32> to vector<128xf32>
      %broadcast_in_dim3A_185 = vector.shape_cast %reduce_min3A_184 : vector<128xf32> to vector<128x1xf32>
      %eq3A_186 = vector.broadcast %broadcast_in_dim3A_185 : vector<128x1xf32> to vector<128x16384xf32>
      %eq3A_187 = arith.cmpf oeq, %select_n3A_182, %eq3A_186 : vector<128x16384xf32>
      %broadcast_in_dim3A_188 = arith.constant 2.000000e+07 : f32
      %broadcast_in_dim3A_189 = vector.broadcast %broadcast_in_dim3A_188 : f32 to vector<128x16384xf32>
      %select_n3A_190 = arith.select %eq3A_187, %add3A_69, %broadcast_in_dim3A_189 : vector<128x16384xi1>, vector<128x16384xf32>
      %reduce_min3A_191 = arith.constant dense<0x7F800000> : vector<128xf32>
      %reduce_min3A_192 = vector.multi_reduction <minimumf>, %select_n3A_190, %reduce_min3A_191 [1] : vector<128x16384xf32> to vector<128xf32>
      %broadcast_in_dim3A_193 = vector.shape_cast %reduce_min3A_192 : vector<128xf32> to vector<128x1xf32>
      %concatenate3A_194 = tpu.concatenate %broadcast_in_dim3A_74, %broadcast_in_dim3A_89, %broadcast_in_dim3A_105, %broadcast_in_dim3A_121, %broadcast_in_dim3A_137, %broadcast_in_dim3A_153, %broadcast_in_dim3A_169, %broadcast_in_dim3A_185 in 1 : vector<128x1xf32>, vector<128x1xf32>, vector<128x1xf32>, vector<128x1xf32>, vector<128x1xf32>, vector<128x1xf32>, vector<128x1xf32>, vector<128x1xf32> -> vector<128x8xf32>
      %concatenate3A_195 = tpu.concatenate %broadcast_in_dim3A_81, %broadcast_in_dim3A_97, %broadcast_in_dim3A_113, %broadcast_in_dim3A_129, %broadcast_in_dim3A_145, %broadcast_in_dim3A_161, %broadcast_in_dim3A_177, %broadcast_in_dim3A_193 in 1 : vector<128x1xf32>, vector<128x1xf32>, vector<128x1xf32>, vector<128x1xf32>, vector<128x1xf32>, vector<128x1xf32>, vector<128x1xf32>, vector<128x1xf32> -> vector<128x8xf32>
      %concatenate3A_196 = tpu.concatenate %scan3A_29, %concatenate3A_194 in 1 : vector<128x8xf32>, vector<128x8xf32> -> vector<128x16xf32>
      %concatenate3A_197 = tpu.concatenate %scan3A_30, %concatenate3A_195 in 1 : vector<128x8xf32>, vector<128x8xf32> -> vector<128x16xf32>
      %reduce_min3A_198 = arith.constant dense<0x7F800000> : vector<128xf32>
      %reduce_min3A_199 = vector.multi_reduction <minimumf>, %concatenate3A_196, %reduce_min3A_198 [1] : vector<128x16xf32> to vector<128xf32>
      %broadcast_in_dim3A_200 = vector.shape_cast %reduce_min3A_199 : vector<128xf32> to vector<128x1xf32>
      %eq3A_201 = vector.broadcast %broadcast_in_dim3A_200 : vector<128x1xf32> to vector<128x16xf32>
      %eq3A_202 = arith.cmpf oeq, %concatenate3A_196, %eq3A_201 : vector<128x16xf32>
      %broadcast_in_dim3A_203 = arith.constant 2.000000e+07 : f32
      %broadcast_in_dim3A_204 = vector.broadcast %broadcast_in_dim3A_203 : f32 to vector<128x16xf32>
      %select_n3A_205 = arith.select %eq3A_202, %concatenate3A_197, %broadcast_in_dim3A_204 : vector<128x16xi1>, vector<128x16xf32>
      %reduce_min3A_206 = arith.constant dense<0x7F800000> : vector<128xf32>
      %reduce_min3A_207 = vector.multi_reduction <minimumf>, %select_n3A_205, %reduce_min3A_206 [1] : vector<128x16xf32> to vector<128xf32>
      %broadcast_in_dim3A_208 = vector.shape_cast %reduce_min3A_207 : vector<128xf32> to vector<128x1xf32>
      %eq3A_209 = vector.broadcast %broadcast_in_dim3A_208 : vector<128x1xf32> to vector<128x16xf32>
      %eq3A_210 = arith.cmpf oeq, %concatenate3A_197, %eq3A_209 : vector<128x16xf32>
      %jit3A_211 = arith.constant 0x7F800000 : f32
      %broadcast_in_dim3A_212 = vector.broadcast %jit3A_211 : f32 to vector<128x16xf32>
      %select_n3A_213 = arith.select %eq3A_210, %broadcast_in_dim3A_212, %concatenate3A_196 : vector<128x16xi1>, vector<128x16xf32>
      %reduce_min3A_214 = arith.constant dense<0x7F800000> : vector<128xf32>
      %reduce_min3A_215 = vector.multi_reduction <minimumf>, %select_n3A_213, %reduce_min3A_214 [1] : vector<128x16xf32> to vector<128xf32>
      %broadcast_in_dim3A_216 = vector.shape_cast %reduce_min3A_215 : vector<128xf32> to vector<128x1xf32>
      %eq3A_217 = vector.broadcast %broadcast_in_dim3A_216 : vector<128x1xf32> to vector<128x16xf32>
      %eq3A_218 = arith.cmpf oeq, %select_n3A_213, %eq3A_217 : vector<128x16xf32>
      %broadcast_in_dim3A_219 = arith.constant 2.000000e+07 : f32
      %broadcast_in_dim3A_220 = vector.broadcast %broadcast_in_dim3A_219 : f32 to vector<128x16xf32>
      %select_n3A_221 = arith.select %eq3A_218, %concatenate3A_197, %broadcast_in_dim3A_220 : vector<128x16xi1>, vector<128x16xf32>
      %reduce_min3A_222 = arith.constant dense<0x7F800000> : vector<128xf32>
      %reduce_min3A_223 = vector.multi_reduction <minimumf>, %select_n3A_221, %reduce_min3A_222 [1] : vector<128x16xf32> to vector<128xf32>
      %broadcast_in_dim3A_224 = vector.shape_cast %reduce_min3A_223 : vector<128xf32> to vector<128x1xf32>
      %eq3A_225 = vector.broadcast %broadcast_in_dim3A_224 : vector<128x1xf32> to vector<128x16xf32>
      %eq3A_226 = arith.cmpf oeq, %concatenate3A_197, %eq3A_225 : vector<128x16xf32>
      %jit3A_227 = arith.constant 0x7F800000 : f32
      %broadcast_in_dim3A_228 = vector.broadcast %jit3A_227 : f32 to vector<128x16xf32>
      %select_n3A_229 = arith.select %eq3A_226, %broadcast_in_dim3A_228, %select_n3A_213 : vector<128x16xi1>, vector<128x16xf32>
      %reduce_min3A_230 = arith.constant dense<0x7F800000> : vector<128xf32>
      %reduce_min3A_231 = vector.multi_reduction <minimumf>, %select_n3A_229, %reduce_min3A_230 [1] : vector<128x16xf32> to vector<128xf32>
      %broadcast_in_dim3A_232 = vector.shape_cast %reduce_min3A_231 : vector<128xf32> to vector<128x1xf32>
      %eq3A_233 = vector.broadcast %broadcast_in_dim3A_232 : vector<128x1xf32> to vector<128x16xf32>
      %eq3A_234 = arith.cmpf oeq, %select_n3A_229, %eq3A_233 : vector<128x16xf32>
      %broadcast_in_dim3A_235 = arith.constant 2.000000e+07 : f32
      %broadcast_in_dim3A_236 = vector.broadcast %broadcast_in_dim3A_235 : f32 to vector<128x16xf32>
      %select_n3A_237 = arith.select %eq3A_234, %concatenate3A_197, %broadcast_in_dim3A_236 : vector<128x16xi1>, vector<128x16xf32>
      %reduce_min3A_238 = arith.constant dense<0x7F800000> : vector<128xf32>
      %reduce_min3A_239 = vector.multi_reduction <minimumf>, %select_n3A_237, %reduce_min3A_238 [1] : vector<128x16xf32> to vector<128xf32>
      %broadcast_in_dim3A_240 = vector.shape_cast %reduce_min3A_239 : vector<128xf32> to vector<128x1xf32>
      %eq3A_241 = vector.broadcast %broadcast_in_dim3A_240 : vector<128x1xf32> to vector<128x16xf32>
      %eq3A_242 = arith.cmpf oeq, %concatenate3A_197, %eq3A_241 : vector<128x16xf32>
      %jit3A_243 = arith.constant 0x7F800000 : f32
      %broadcast_in_dim3A_244 = vector.broadcast %jit3A_243 : f32 to vector<128x16xf32>
      %select_n3A_245 = arith.select %eq3A_242, %broadcast_in_dim3A_244, %select_n3A_229 : vector<128x16xi1>, vector<128x16xf32>
      %reduce_min3A_246 = arith.constant dense<0x7F800000> : vector<128xf32>
      %reduce_min3A_247 = vector.multi_reduction <minimumf>, %select_n3A_245, %reduce_min3A_246 [1] : vector<128x16xf32> to vector<128xf32>
      %broadcast_in_dim3A_248 = vector.shape_cast %reduce_min3A_247 : vector<128xf32> to vector<128x1xf32>
      %eq3A_249 = vector.broadcast %broadcast_in_dim3A_248 : vector<128x1xf32> to vector<128x16xf32>
      %eq3A_250 = arith.cmpf oeq, %select_n3A_245, %eq3A_249 : vector<128x16xf32>
      %broadcast_in_dim3A_251 = arith.constant 2.000000e+07 : f32
      %broadcast_in_dim3A_252 = vector.broadcast %broadcast_in_dim3A_251 : f32 to vector<128x16xf32>
      %select_n3A_253 = arith.select %eq3A_250, %concatenate3A_197, %broadcast_in_dim3A_252 : vector<128x16xi1>, vector<128x16xf32>
      %reduce_min3A_254 = arith.constant dense<0x7F800000> : vector<128xf32>
      %reduce_min3A_255 = vector.multi_reduction <minimumf>, %select_n3A_253, %reduce_min3A_254 [1] : vector<128x16xf32> to vector<128xf32>
      %broadcast_in_dim3A_256 = vector.shape_cast %reduce_min3A_255 : vector<128xf32> to vector<128x1xf32>
      %eq3A_257 = vector.broadcast %broadcast_in_dim3A_256 : vector<128x1xf32> to vector<128x16xf32>
      %eq3A_258 = arith.cmpf oeq, %concatenate3A_197, %eq3A_257 : vector<128x16xf32>
      %jit3A_259 = arith.constant 0x7F800000 : f32
      %broadcast_in_dim3A_260 = vector.broadcast %jit3A_259 : f32 to vector<128x16xf32>
      %select_n3A_261 = arith.select %eq3A_258, %broadcast_in_dim3A_260, %select_n3A_245 : vector<128x16xi1>, vector<128x16xf32>
      %reduce_min3A_262 = arith.constant dense<0x7F800000> : vector<128xf32>
      %reduce_min3A_263 = vector.multi_reduction <minimumf>, %select_n3A_261, %reduce_min3A_262 [1] : vector<128x16xf32> to vector<128xf32>
      %broadcast_in_dim3A_264 = vector.shape_cast %reduce_min3A_263 : vector<128xf32> to vector<128x1xf32>
      %eq3A_265 = vector.broadcast %broadcast_in_dim3A_264 : vector<128x1xf32> to vector<128x16xf32>
      %eq3A_266 = arith.cmpf oeq, %select_n3A_261, %eq3A_265 : vector<128x16xf32>
      %broadcast_in_dim3A_267 = arith.constant 2.000000e+07 : f32
      %broadcast_in_dim3A_268 = vector.broadcast %broadcast_in_dim3A_267 : f32 to vector<128x16xf32>
      %select_n3A_269 = arith.select %eq3A_266, %concatenate3A_197, %broadcast_in_dim3A_268 : vector<128x16xi1>, vector<128x16xf32>
      %reduce_min3A_270 = arith.constant dense<0x7F800000> : vector<128xf32>
      %reduce_min3A_271 = vector.multi_reduction <minimumf>, %select_n3A_269, %reduce_min3A_270 [1] : vector<128x16xf32> to vector<128xf32>
      %broadcast_in_dim3A_272 = vector.shape_cast %reduce_min3A_271 : vector<128xf32> to vector<128x1xf32>
      %eq3A_273 = vector.broadcast %broadcast_in_dim3A_272 : vector<128x1xf32> to vector<128x16xf32>
      %eq3A_274 = arith.cmpf oeq, %concatenate3A_197, %eq3A_273 : vector<128x16xf32>
      %jit3A_275 = arith.constant 0x7F800000 : f32
      %broadcast_in_dim3A_276 = vector.broadcast %jit3A_275 : f32 to vector<128x16xf32>
      %select_n3A_277 = arith.select %eq3A_274, %broadcast_in_dim3A_276, %select_n3A_261 : vector<128x16xi1>, vector<128x16xf32>
      %reduce_min3A_278 = arith.constant dense<0x7F800000> : vector<128xf32>
      %reduce_min3A_279 = vector.multi_reduction <minimumf>, %select_n3A_277, %reduce_min3A_278 [1] : vector<128x16xf32> to vector<128xf32>
      %broadcast_in_dim3A_280 = vector.shape_cast %reduce_min3A_279 : vector<128xf32> to vector<128x1xf32>
      %eq3A_281 = vector.broadcast %broadcast_in_dim3A_280 : vector<128x1xf32> to vector<128x16xf32>
      %eq3A_282 = arith.cmpf oeq, %select_n3A_277, %eq3A_281 : vector<128x16xf32>
      %broadcast_in_dim3A_283 = arith.constant 2.000000e+07 : f32
      %broadcast_in_dim3A_284 = vector.broadcast %broadcast_in_dim3A_283 : f32 to vector<128x16xf32>
      %select_n3A_285 = arith.select %eq3A_282, %concatenate3A_197, %broadcast_in_dim3A_284 : vector<128x16xi1>, vector<128x16xf32>
      %reduce_min3A_286 = arith.constant dense<0x7F800000> : vector<128xf32>
      %reduce_min3A_287 = vector.multi_reduction <minimumf>, %select_n3A_285, %reduce_min3A_286 [1] : vector<128x16xf32> to vector<128xf32>
      %broadcast_in_dim3A_288 = vector.shape_cast %reduce_min3A_287 : vector<128xf32> to vector<128x1xf32>
      %eq3A_289 = vector.broadcast %broadcast_in_dim3A_288 : vector<128x1xf32> to vector<128x16xf32>
      %eq3A_290 = arith.cmpf oeq, %concatenate3A_197, %eq3A_289 : vector<128x16xf32>
      %jit3A_291 = arith.constant 0x7F800000 : f32
      %broadcast_in_dim3A_292 = vector.broadcast %jit3A_291 : f32 to vector<128x16xf32>
      %select_n3A_293 = arith.select %eq3A_290, %broadcast_in_dim3A_292, %select_n3A_277 : vector<128x16xi1>, vector<128x16xf32>
      %reduce_min3A_294 = arith.constant dense<0x7F800000> : vector<128xf32>
      %reduce_min3A_295 = vector.multi_reduction <minimumf>, %select_n3A_293, %reduce_min3A_294 [1] : vector<128x16xf32> to vector<128xf32>
      %broadcast_in_dim3A_296 = vector.shape_cast %reduce_min3A_295 : vector<128xf32> to vector<128x1xf32>
      %eq3A_297 = vector.broadcast %broadcast_in_dim3A_296 : vector<128x1xf32> to vector<128x16xf32>
      %eq3A_298 = arith.cmpf oeq, %select_n3A_293, %eq3A_297 : vector<128x16xf32>
      %broadcast_in_dim3A_299 = arith.constant 2.000000e+07 : f32
      %broadcast_in_dim3A_300 = vector.broadcast %broadcast_in_dim3A_299 : f32 to vector<128x16xf32>
      %select_n3A_301 = arith.select %eq3A_298, %concatenate3A_197, %broadcast_in_dim3A_300 : vector<128x16xi1>, vector<128x16xf32>
      %reduce_min3A_302 = arith.constant dense<0x7F800000> : vector<128xf32>
      %reduce_min3A_303 = vector.multi_reduction <minimumf>, %select_n3A_301, %reduce_min3A_302 [1] : vector<128x16xf32> to vector<128xf32>
      %broadcast_in_dim3A_304 = vector.shape_cast %reduce_min3A_303 : vector<128xf32> to vector<128x1xf32>
      %eq3A_305 = vector.broadcast %broadcast_in_dim3A_304 : vector<128x1xf32> to vector<128x16xf32>
      %eq3A_306 = arith.cmpf oeq, %concatenate3A_197, %eq3A_305 : vector<128x16xf32>
      %jit3A_307 = arith.constant 0x7F800000 : f32
      %broadcast_in_dim3A_308 = vector.broadcast %jit3A_307 : f32 to vector<128x16xf32>
      %select_n3A_309 = arith.select %eq3A_306, %broadcast_in_dim3A_308, %select_n3A_293 : vector<128x16xi1>, vector<128x16xf32>
      %reduce_min3A_310 = arith.constant dense<0x7F800000> : vector<128xf32>
      %reduce_min3A_311 = vector.multi_reduction <minimumf>, %select_n3A_309, %reduce_min3A_310 [1] : vector<128x16xf32> to vector<128xf32>
      %broadcast_in_dim3A_312 = vector.shape_cast %reduce_min3A_311 : vector<128xf32> to vector<128x1xf32>
      %eq3A_313 = vector.broadcast %broadcast_in_dim3A_312 : vector<128x1xf32> to vector<128x16xf32>
      %eq3A_314 = arith.cmpf oeq, %select_n3A_309, %eq3A_313 : vector<128x16xf32>
      %broadcast_in_dim3A_315 = arith.constant 2.000000e+07 : f32
      %broadcast_in_dim3A_316 = vector.broadcast %broadcast_in_dim3A_315 : f32 to vector<128x16xf32>
      %select_n3A_317 = arith.select %eq3A_314, %concatenate3A_197, %broadcast_in_dim3A_316 : vector<128x16xi1>, vector<128x16xf32>
      %reduce_min3A_318 = arith.constant dense<0x7F800000> : vector<128xf32>
      %reduce_min3A_319 = vector.multi_reduction <minimumf>, %select_n3A_317, %reduce_min3A_318 [1] : vector<128x16xf32> to vector<128xf32>
      %broadcast_in_dim3A_320 = vector.shape_cast %reduce_min3A_319 : vector<128xf32> to vector<128x1xf32>
      %concatenate3A_321 = tpu.concatenate %broadcast_in_dim3A_200, %broadcast_in_dim3A_216, %broadcast_in_dim3A_232, %broadcast_in_dim3A_248, %broadcast_in_dim3A_264, %broadcast_in_dim3A_280, %broadcast_in_dim3A_296, %broadcast_in_dim3A_312 in 1 : vector<128x1xf32>, vector<128x1xf32>, vector<128x1xf32>, vector<128x1xf32>, vector<128x1xf32>, vector<128x1xf32>, vector<128x1xf32>, vector<128x1xf32> -> vector<128x8xf32>
      %concatenate3A_322 = tpu.concatenate %broadcast_in_dim3A_208, %broadcast_in_dim3A_224, %broadcast_in_dim3A_240, %broadcast_in_dim3A_256, %broadcast_in_dim3A_272, %broadcast_in_dim3A_288, %broadcast_in_dim3A_304, %broadcast_in_dim3A_320 in 1 : vector<128x1xf32>, vector<128x1xf32>, vector<128x1xf32>, vector<128x1xf32>, vector<128x1xf32>, vector<128x1xf32>, vector<128x1xf32>, vector<128x1xf32> -> vector<128x8xf32>
      scf.yield %concatenate3A_321, %concatenate3A_322 : vector<128x8xf32>, vector<128x8xf32>
    }
    %scan3A_21 = arith.constant 7 : i32
    %swap3A = arith.constant 0 : index
    %swap3A_22 = arith.constant 0 : index
    %swap3A_23 = vector.load %arg4[%swap3A, %swap3A_22] : memref<128x8xf32, #tpu.memory_space<vmem>>, vector<128x8xf32>
    tpu.vector_store %arg4[%swap3A, %swap3A_22], %scan3A_20#0 {strides = array<i32>} : memref<128x8xf32, #tpu.memory_space<vmem>>, vector<128x8xf32>,
    %convert_element_type3A_24 = arith.fptosi %scan3A_20#1 : vector<128x8xf32> to vector<128x8xi32>
    %swap3A_25 = arith.constant 0 : index
    %swap3A_26 = arith.constant 0 : index
    %swap3A_27 = vector.load %arg5[%swap3A_25, %swap3A_26] : memref<128x8xi32, #tpu.memory_space<vmem>>, vector<128x8xi32>
    tpu.vector_store %arg5[%swap3A_25, %swap3A_26], %convert_element_type3A_24 {strides = array<i32>} : memref<128x8xi32, #tpu.memory_space<vmem>>, vector<128x8xi32>,
    return
  }
  func.func @transform_0(%arg0: i32) -> (i32, i32) {
    %c0_i32 = arith.constant 0 : i32
    %c0_i32_0 = arith.constant 0 : i32
    %c0_i32_1 = arith.constant 0 : i32
    return %c0_i32, %c0_i32_0 : i32, i32
  }
  func.func @transform_1(%arg0: i32) -> (i32, i32) {
    %c0_i32 = arith.constant 0 : i32
    %c0_i32_0 = arith.constant 0 : i32
    %c0_i32_1 = arith.constant 0 : i32
    return %c0_i32, %c0_i32_0 : i32, i32
  }
  func.func @transform_2(%arg0: i32) -> (i32, i32) {
    %c0_i32 = arith.constant 0 : i32
    %c0_i32_0 = arith.constant 0 : i32
    return %arg0, %c0_i32 : i32, i32
  }
  func.func @transform_3(%arg0: i32) -> (i32, i32) {
    %c0_i32 = arith.constant 0 : i32
    %c0_i32_0 = arith.constant 0 : i32
    return %arg0, %c0_i32 : i32, i32
  }
  func.func @transform_4(%arg0: i32) -> (i32, i32) {
    %c0_i32 = arith.constant 0 : i32
    %c0_i32_0 = arith.constant 0 : i32
    return %arg0, %c0_i32 : i32, i32
  }
}

</mosaic_0001>

<sc_bundles>
// kernel: gather_offload_async_start
scs
__scs_entry_jumppad:
0x0: {  	(pc) =	sbr.rel $0x88, $3  }
0x1: {  	(tag) =	ssettag $0x0;
	lr =	simm.s32 $0x1  }
0x2: {  	[smem:$0x3F9E] =	sst lr;
	_ =	strace $0xD0000000  }
0x3: {  	_ = 	snop  }
0x4: {  	_ = 	snop  }
0x5: {  	_ = 	snop  }
0x6: {  	_ = 	snop  }
0x7: {  	_ = 	snop  }
__scs_overlays_trampoline_lowered:
0x8: {  	[smem:$0x3FAD] =	sst s0  }
0x9: {  	[smem:$0x3FAE] =	sst s1  }
0xa: {  	[smem:$0x3FAF] =	sst s2  }
0xb: {  	[smem:$0x3FB0] =	sst s3  }
0xc: {  	[smem:$0x3FB1] =	sst s4  }
0xd: {  	[smem:$0x3FB2] =	sst s5  }
0xe: {  	[smem:$0x3FB3] =	sst s6  }
0xf: {  	[smem:$0x3FB4] =	sst s7  }
0x10: {  	[smem:$0x3FB5] =	sst s8  }
0x11: {  	[smem:$0x3FB6] =	sst s9;
	s0 =	simm.s32 @!p0 $0x0  }
0x12: {  	s1 =	sld [smem:$0x3F9C];
	s0 =	simm.s32 @p0 $0x1  }
0x13: {  	[smem:$0x3FB7] =	sst s0;
	s0 =	simm.s32 @!p1 $0x0  }
0x14: {  	s2 =	sld [smem:$0x3F9B];
	s0 =	simm.s32 @p1 $0x1  }
0x15: {  	[smem:$0x3FB8] =	sst s0;
	s0 =	simm.s32 @!p2 $0x0  }
0x16: {  	s3 =	sld [smem:$0x3FDB];
	s0 =	simm.s32 @p2 $0x1  }
0x17: {  	s4 =	simm.s32 $0x1BF5;
	[smem:$0x3FBA] =	sst s0  }
0x18: {  	s0 =	sld [smem:$0x3F9D];
	_ =	swait.ge [sflag:s4], $0x0  }
0x19: {  	s7 =	sld [smem:$0x3F9E]  }
0x1a: {  	s8 =	sadd.s32 $0xFFFFE003, lr  }
0x1b: {  	s9 =	sadd.s32 $0xFFFFFEF7, lr;
	s5 =	simm.s32 $0xFFFFFFFF;
	p2 =	slt.u32 s8, $0xFFFFF086  }
0x1c: {  	p1 =	slt.u32 s9, $0xF7A;
	s5 =	simm.s32 @!p2 $0x0  }
0x1d: {  	s5 =	simm.s32 @p1 $0x1;
	p0 =	seq.s32 s7, s2  }
0x1e: {  	s7 =	smul.u32 @!p0 $0xF7A, s2;
	p2 =	seq.s32 @!p0 s5, $0x0  }
0x1f: {  	s9 =	smul.u32 $0xF7A, s1;
	s8 =	simm.s32 @!p0 $0x1BF5;
	p2 =	por !p2, p0  }
0x20: {  	[sflag:s8] =	ssyncset.s32 @!p0 $0xFFFFF086;
	s6 =	sadd.s32 @!p0 s3, s7;
	s7 =	simm.s32 @!p0 $0x108  }
0x21: {  	s3 =	sadd.s32 s3, s9;
	s6 =	sadd.s32 @!p0 $0x88, s6;
	s7 =	simm.s32 @p2 $0x1082  }
0x22: {  	[simem:s7], [sflag:s8] =	dma.local @!p0 [hbm:s6], $0xF7A  }
0x23: {  	s9 =	sor.u32 $0xD0000000, s2;
	s6 =	simm.s32 $0x108;
	_ =	swait.ge @!p0 [sflag:s8], $0x0  }
0x24: {  	s3 =	sadd.s32 $0x88, s3;
	s6 =	simm.s32 @!p1 $0x1082;
	[sflag:s4] =	ssyncset.s32 $0xFFFFF086  }
0x25: {  	[simem:s6], [sflag:s4] =	dma.local [hbm:s3], $0xF7A  }
0x26: {  	[smem:$0x3F9E] =	sst s1;
	(tag) =	ssettag s2;
	_ =	strace s9  }
0x27: {  	s1 =	sld [smem:$0x3FAE]  }
0x28: {  	s2 =	sld [smem:$0x3FAF]  }
0x29: {  	s4 =	sld [smem:$0x3FB1]  }
0x2a: {  	p0 =	seq.s32 s5, $0x0;
	s5 =	sld [smem:$0x3FB2]  }
0x2b: {  	s6 =	sld [smem:$0x3FB3]  }
0x2c: {  	s7 =	sld [smem:$0x3FB4]  }
0x2d: {  	s3 =	simm.s32 $0x108;
	s8 =	sld [smem:$0x3FB5]  }
0x2e: {  	s3 =	simm.s32 @!p0 $0x1082;
	s9 =	sld [smem:$0x3FB6]  }
0x2f: {  	lr =	sadd.s32 s0, s3;
	s0 =	sld [smem:$0x3FAD]  }
0x30: {  	s3 =	sld [smem:$0x3FB0]  }
0x31: {  	[smem:$0x3FB9] =	sst s10  }
0x32: {  	s10 =	sld [smem:$0x3FB7];
	_ =	sdelay $0x3  }
0x33: {  	p0 =	seq.s32 s10, $0x1;
	s10 =	sld [smem:$0x3FB9];
	_ =	sdelay $0x3  }
0x34: {  	[smem:$0x3FB9] =	sst s10  }
0x35: {  	s10 =	sld [smem:$0x3FB8];
	_ =	sdelay $0x3  }
0x36: {  	p1 =	seq.s32 s10, $0x1;
	s10 =	sld [smem:$0x3FB9];
	_ =	sdelay $0x3  }
0x37: {  	[smem:$0x3FB9] =	sst s10  }
0x38: {  	s10 =	sld [smem:$0x3FBA]  }
0x39: {  	_ = 	snop;
	(pc) =	sbr.ind lr, $3  }
0x3a: {  	_ = 	snop  }
0x3b: {  	_ = 	snop  }
0x3c: {  	p2 =	seq.s32 s10, $0x1;
	s10 =	sld [smem:$0x3FB9]  }
0x3d: {  	_ =	shalt  }
0x3e: {  	_ =	shalt  }
0x3f: {  	_ =	shalt  }
0x40: {  	_ =	shalt  }
0x41: {  	_ =	shalt  }
0x42: {  	_ =	shalt  }
0x43: {  	_ =	shalt  }
0x44: {  	_ =	shalt  }
0x45: {  	_ =	shalt  }
0x46: {  	_ =	shalt  }
0x47: {  	_ =	shalt  }
0x48: {  	_ =	shalt  }
0x49: {  	_ =	shalt  }
0x4a: {  	_ =	shalt  }
0x4b: {  	_ =	shalt  }
0x4c: {  	_ =	shalt  }
0x4d: {  	_ =	shalt  }
0x4e: {  	_ =	shalt  }
0x4f: {  	_ =	shalt  }
0x50: {  	_ =	shalt  }
0x51: {  	_ =	shalt  }
0x52: {  	_ =	shalt  }
0x53: {  	_ =	shalt  }
0x54: {  	_ =	shalt  }
0x55: {  	_ =	shalt  }
0x56: {  	_ =	shalt  }
0x57: {  	_ =	shalt  }
0x58: {  	_ =	shalt  }
0x59: {  	_ =	shalt  }
0x5a: {  	_ =	shalt  }
0x5b: {  	_ =	shalt  }
0x5c: {  	_ =	shalt  }
0x5d: {  	_ =	shalt  }
0x5e: {  	_ =	shalt  }
0x5f: {  	_ =	shalt  }
0x60: {  	_ =	shalt  }
0x61: {  	_ =	shalt  }
0x62: {  	_ =	shalt  }
0x63: {  	_ =	shalt  }
0x64: {  	_ =	shalt  }
0x65: {  	_ =	shalt  }
0x66: {  	_ =	shalt  }
0x67: {  	_ =	shalt  }
0x68: {  	_ =	shalt  }
0x69: {  	_ =	shalt  }
0x6a: {  	_ =	shalt  }
0x6b: {  	_ =	shalt  }
0x6c: {  	_ =	shalt  }
0x6d: {  	_ =	shalt  }
0x6e: {  	_ =	shalt  }
0x6f: {  	_ =	shalt  }
0x70: {  	_ =	shalt  }
0x71: {  	_ =	shalt  }
0x72: {  	_ =	shalt  }
0x73: {  	_ =	shalt  }
0x74: {  	_ =	shalt  }
0x75: {  	_ =	shalt  }
0x76: {  	_ =	shalt  }
0x77: {  	_ =	shalt  }
0x78: {  	_ =	shalt  }
0x79: {  	_ =	shalt  }
0x7a: {  	_ =	shalt  }
0x7b: {  	_ =	shalt  }
0x7c: {  	_ =	shalt  }
0x7d: {  	_ =	shalt  }
0x7e: {  	_ =	shalt  }
0x7f: {  	_ =	shalt  }
0x80: {  	_ =	shalt  }
0x81: {  	_ =	shalt  }
0x82: {  	_ =	shalt  }
0x83: {  	_ =	shalt  }
0x84: {  	_ =	shalt  }
0x85: {  	_ =	shalt  }
0x86: {  	_ =	shalt  }
0x87: {  	_ =	shalt  }
.Lfunc_end0:
.L_simem_size_0:
called_computation_lowered:
.L_overlay_start_0:
0x88: {  	s2 =	sld [smem:$0x3FD9]  }
0x89: {  	s3 =	sld [smem:$0x3FFE];
	_ =	sdelay $0x1  }
0x8a: {  	s1 =	srdreg.scid  }
0x8b: {  	s0 =	sand.u32 $0x1, s1  }
0x8c: {  	s17 =	sshll.u32 s0, $0xA;
	s2 =	sadd.s32 s3, s2  }
0x8d: {  	s2 =	sadd.s32 s2, s17  }
0x8e: {  	[smem:$0x3FC5] =	sst s2  }
0x8f: {  	_ = 	snop  }
0x90: {  	s2 =	sld [smem:$0x3FD0];
	(tm) =	ssettm $0x1  }
0x91: {  	s18 =	sld [smem:$0x3FFB];
	_ =	sdelay $0x3  }
0x92: {  	_ =	strace s18  }
0x93: {  	s3 =	sld [smem:$0x3FFC];
	_ =	sdelay $0x3  }
0x94: {  	_ =	strace s3  }
0x95: {  	s3 =	sld [smem:$0x3FFD];
	_ =	sdelay $0x3  }
0x96: {  	_ =	strace s3  }
0x97: {  	_ =	strace $0x8FFFFFFF  }
0x98: {  	s19 =	sld [smem:$0x3FDB];
	_ =	sdelay $0x1  }
0x99: {  	s4 =	simm.s32 $_scs_section_size  }
0x9a: {  	s5 =	simm.s32 $_size__tile_overlayer_lowered;
	s6 =	simm.s32 $_tile_overlayer_lowered  }
0x9b: {  	s22 =	simm.s32 $0x1BFF;
	s21 =	sshll.u32 s6, $0x1;
	s3 =	sadd.s32 s4, s19  }
0x9c: {  	s7 =	simm.s32 $0x0;
	s20 =	sshll.u32 s5, $0x1;
	s5 =	sadd.s32 s21, s3  }
0x9d: {  	[timem:s7], [sflag:s22] =	dma.local [hbm:s5], s20  }
0x9e: {  	_ =	swait.ge [sflag:s22], s20  }
0x9f: {  	s4 =	ssub.s32 $0x0, s20;
	[sflag:s22] =	ssyncset.done $0x0  }
0xa0: {  	[sflag:s22] =	ssyncadd.s32 s4;
	_ =	sdelay $0x1  }
0xa1: {  	s23 =	simm.s32 $0x1B8B  }
0xa2: {  	_ =	swait.ge [sflag:s23], $0x1  }
0xa3: {  	[sflag:s23] =	ssyncset.done $0x0  }
0xa4: {  	s25 =	simm.s32 $0x1B8E;
	s24 =	sld [smem:$0x3FFE];
	[sflag:s23] =	ssyncadd.s32 $0xFFFFFFFF  }
0xa5: {  	s26 =	simm.s32 $execute0_lowered;
	[smem:$0x3FD2] =	sst s25  }
0xa6: {  	s5 =	sshll.u32 s26, $0x1;
	_ =	strace $0x80000046;
	[dreg:$0x1] =	wrdreg $0xFFFFFFFF  }
0xa7: {  	s28 =	simm.s32 $_size_execute0_lowered;
	s3 =	sadd.s32 s3, s5;
	[dreg:$0x0] =	wrdreg $0x0  }
0xa8: {  	s5 =	sshll.u32 s28, $0x1;
	[dreg:$0x2] =	wrdreg s3  }
0xa9: {  	[dreg:$0x3] =	wrdreg s5  }
0xaa: {  	[dreg:$0x4] =	wrdreg $0xC0  }
0xab: {  	_ =	task [dreg:s7], $0x5FFFF  }
0xac: {  	[dreg:$0x1] =	wrdreg $0xFFFFFFFF  }
0xad: {  	[dreg:$0x0] =	wrdreg $0x60  }
0xae: {  	[dreg:$0x2] =	wrdreg s24  }
0xaf: {  	[dreg:$0x3] =	wrdreg s2  }
0xb0: {  	[dreg:$0x4] =	wrdreg $0x9  }
0xb1: {  	_ =	task.clear_ibuf [dreg:s7], $0x5FFFF;
	_ =	strace $0x90000046  }
0xb2: {  	s29 =	simm.s32 $0x9;
	_ =	strace $0x80000048  }
0xb3: {  	_ =	swait.ge [sflag:s29], $0x1  }
0xb4: {  	[sflag:s29] =	ssyncadd.s32 $0xFFFFFFFF  }
0xb5: {  	_ =	strace $0x90000048  }
0xb6: {  	_ =	sfence  }
0xb7: {  	s30 =	sld [smem:$0x0];
	_ =	sdelay $0x2  }
0xb8: {  	s31 =	sshll.u32 s1, $0xD;
	s1 =	sshrl.u32 s1, $0x2  }
0xb9: {  	s3 =	sand.u32 $0x4000, s31;
	s1 =	sadd.s32 s1, s30  }
0xba: {  	s0 =	sor.u32 s3, s0;
	s1 =	sshll.u32 s1, $0x11  }
0xbb: {  	s0 =	sor.u32 s1, s0  }
0xbc: {  	s0 =	sadd.s32 $0x8F2B, s0  }
0xbd: {  	[sflag:s0] =	ssyncadd.remote.s32 $0x1  }
0xbe: {  	_ =	sfence.sel $0xFFFF  }
0xbf: {  	[dreg:$0x0] =	wrdreg $0xFFFFFFFF;
	(pc) =	sbr.abs _section_cstart, $3  }
0xc0: {  	[dreg:$0x1] =	wrdreg $0xFFFFFFFF  }
0xc1: {  	_ =	task.clear_ibuf [dreg:s7], $0x2FFFF;
	_ =	strace $0x9FFFFFFF  }
0xc2: {  	(tm) =	ssettm $0x7FFFFFFF  }
0xc3: {  	_ =	shalt  }
tec
execute0_lowered:
.L_overlay_start_1:
0x0: {  	(tag) =	ssettag $0x1  }
0x1: {  	s7 =	rddreg [dreg:$0x0]  }
0x2: {  	s2 =	rddreg [dreg:$0x1]  }
0x3: {  	s0 =	rddreg [dreg:$0x2]  }
0x4: {  	s1 =	srdreg.scid;
	_ =	strace $0x80000047;
	s4 =	simm.s32 $0x1  }
0x5: {  	s9 =	simm.s32 $0x3;
	s11 =	simm.s32 $0x0;
	s5 =	sshll.u32 s1, $0x4  }
.Ltmp0:
0x6: {  	s1 =	stileid.u32;
	s5 =	sand.u32 $0x10, s5;
	(pc) =	sbr.rel .LBB2_1-.Ltmp0, $4  }
0x7: {  	p0 =	por $0x0, $0x0;
	s3 =	sadd.s32 $0x10200, s7;
	s6 =	sor.u32 s1, s5  }
0x8: {  	[sflag:s4] =	ssyncpa.u1 $0x0;
	s5 =	simm.s32 $0x2;
	s6 =	sshll.u32 s6, $0xA  }
0x9: {  	s7 =	sadd.s32 $0x196C00, s7;
	[sflag:s5] =	ssyncpa.u1 $0x0;
	s8 =	sadd.s32 $0x400, s6  }
0xa: {  	vm0 =	vmmov $0xff;
	vm1 =	vcmask $0x3F20;
	[sflag:s9] =	ssyncpa.u1 $0x0;
	s10 =	smov.u32 s6;
	s9 =	simm.s32 $0x0  }
.LBB2_7:
0xb: {  	p1 =	slt.u32 s9, $0x2;
	s11 =	sadd.s32 $0x100, s10  }
0xc: {  	s13 =	smov.u32 s6;
	s9 =	sadd.s32 $0x1, s9;
	p2 =	slt.s32 s11, s8  }
0xd: {  	s13 =	smov.u32 @p2 s11;
	p2 =	sne.s32 s9, $0x6  }
.Ltmp1:
0xe: {  	_ = 	snop;
	(pc) =	sbr.rel @!p2 .LBB2_8-.Ltmp1, $4  }
0xf: {  	s12 =	simm.s32 @!p1 $0x3  }
0x10: {  	_ =	swait.ge @!p1 [sflag:s12], $0x8000  }
0x11: {  	p0 =	por !p0, !p0;
	[sflag:s12] =	ssyncset.done @!p1 $0x0  }
0x12: {  	s11 =	smov.u32 s10;
	s10 =	smov.u32 s13;
	[sflag:s12] =	ssyncadd.s32 @!p1 $0xFFFF8000  }
.LBB2_1:
0x13: {  	p1 =	sgt.u32 s9, $0x3  }
0x14: {  	s12 =	sxor.u32 @!p1 $0xFFFFFFFF, s9  }
0x15: {  	s13 =	sshrl.u32 @!p1 s10, $0x3;
	s12 =	sshll.u32 @!p1 s12, $0x8  }
0x16: {  	s14 =	sand.u32 @!p1 $0x7, s10;
	s13 =	sadd.s32 @!p1 s2, s13;
	s12 =	sand.u32 @!p1 $0x100, s12  }
0x17: {  	[tilespmem:s12], [sflag:$0x2] =	stream.linear.gather @!p1 [hbm4b:s13+s14], $0x100, $0x38;
	[tilespmem:$0x10200] =	vst v63  }
0x18: {  	p1 =	seq.s32 s9, $0x0  }
0x19: {  	p2 =	seq.s32 @!p1 s9, $0x5  }
0x1a: {  	p1 =	por p1, p2  }
.Ltmp2:
0x1b: {  	_ = 	snop;
	(pc) =	sbr.rel @p1 .LBB2_7-.Ltmp2, $1  }
0x1c: {  	_ =	sdelay $0x3  }
0x1d: {  	s12 =	simm.s32 $0x1  }
0x1e: {  	_ =	swait.ge [sflag:s5], $0x100;
	s12 =	simm.s32 @!p0 $0x0  }
0x1f: {  	[sflag:s5] =	ssyncset.done $0x0;
	s14 =	sshll.u32 s12, $0x8  }
0x20: {  	[sflag:s5] =	ssyncadd.s32 $0xFFFFFF00;
	s13 =	sadd.s32 $0x0, s14  }
0x21: {  	v0 =	vld.msk [tilespmem:s13+$0x0 ss:$0x1], $0xffff;
	_ =	sdelay $0x4  }
0x22: {  	vm2 =	vgt.s32 v0, $0x0  }
0x23: {  	v0 =	vnsel vm2, $0x0, v0  }
0x24: {  	v0 =	vmin.u32 v0, $0x1869F  }
0x25: {  	v0 =	vshll.u32 v0, $0x4;
	_ =	sdelay $0x2  }
0x26: {  	s12 =	sshll.u32 s12, $0xF  }
0x27: {  	s12 =	sor.u32 $0x200, s12  }
0x28: {  	[tilespmem:s12], [sflag:$0x1] =	stream.indirect_vreg.gather [hbm:s3], $0x80, v0, vm0, $0x38;
	[tilespmem:$0x10200] =	vst v63  }
0x29: {  	s15 =	sadd.s32 $0x10, s14;
	s13 =	sadd.s32 $0x400, s12  }
0x2a: {  	[tilespmem:s13], [sflag:$0x1] =	stream.indirect_vreg.gather [hbm:s3], $0x80, v0, vm1, $0x38;
	[tilespmem:$0x10200] =	vst v63  }
0x2b: {  	s16 =	simm.s32 $0x80;
	v0 =	vld.msk [tilespmem:s15+$0x0 ss:$0x1], $0xffff;
	s15 =	smov.u32 s12  }
.LBB2_3:
0x2c: {  	p1 =	sne.s32 s16, $0x3C0;
	_ =	sdelay $0x4  }
0x2d: {  	vm2 =	vgt.s32 v0, $0x0  }
0x2e: {  	v0 =	vnsel vm2, $0x0, v0  }
0x2f: {  	v0 =	vmin.u32 v0, $0x1869F  }
0x30: {  	v0 =	vshll.u32 v0, $0x4;
	_ =	sdelay $0x3  }
.Ltmp3:
0x31: {  	s17 =	sshra.s32 s16, $0x2;
	s15 =	sadd.s32 $0x800, s15;
	(pc) =	sbr.rel @p1 .LBB2_3-.Ltmp3, $4  }
0x32: {  	[tilespmem:s15], [sflag:$0x1] =	stream.indirect_vreg.gather [hbm:s3], $0x80, v0, vm0, $0x38;
	[tilespmem:$0x10200] =	vst v63  }
0x33: {  	s17 =	sadd.s32 s17, s14;
	s18 =	sadd.s32 $0x400, s15  }
0x34: {  	[tilespmem:s18], [sflag:$0x1] =	stream.indirect_vreg.gather [hbm:s3], $0x80, v0, vm1, $0x38;
	[tilespmem:$0x10200] =	vst v63  }
0x35: {  	s16 =	sadd.s32 $0x40, s16;
	v0 =	vld.msk [tilespmem:s17+$0x0 ss:$0x1], $0xffff  }
0x36: {  	_ =	sdelay $0x3  }
0x37: {  	vm2 =	vgt.s32 v0, $0x0  }
0x38: {  	v0 =	vnsel vm2, $0x0, v0  }
0x39: {  	v0 =	vmin.u32 v0, $0x1869F  }
0x3a: {  	v0 =	vshll.u32 v0, $0x4;
	_ =	sdelay $0x3  }
0x3b: {  	s14 =	sadd.s32 $0x800, s15  }
0x3c: {  	[tilespmem:s14], [sflag:$0x1] =	stream.indirect_vreg.gather [hbm:s3], $0x80, v0, vm0, $0x38;
	[tilespmem:$0x10200] =	vst v63  }
0x3d: {  	s14 =	sadd.s32 $0x400, s14  }
0x3e: {  	[tilespmem:s14], [sflag:$0x1] =	stream.indirect_vreg.gather [hbm:s3], $0x80, v0, vm1, $0x38;
	[tilespmem:$0x10200] =	vst v63  }
0x3f: {  	s11 =	sshll.u32 s11, $0x4;
	_ =	swait.ge [sflag:s4], $0x8000  }
0x40: {  	s11 =	sadd.s32 s11, s7;
	[sflag:s4] =	ssyncset.done $0x0  }
0x41: {  	s15 =	sadd.s32 $0x0, s11;
	s14 =	simm.s32 $0x80;
	[sflag:s4] =	ssyncadd.s32 $0xFFFF8000  }
.LBB2_5:
0x42: {  	[hbm:s15] =	stream.linear.scatter [tilespmem:s12], [sflag:$0x3], $0x400, $0x38;
	[tilespmem:$0x10200] =	vst v63  }
0x43: {  	s15 =	smov.u32 s14;
	s12 =	smov.u32 s13;
	p1 =	sne.s32 s14, $0xF80  }
.Ltmp4:
0x44: {  	s14 =	sadd.s32 $0x80, s14;
	(pc) =	sbr.rel @p1 .LBB2_5-.Ltmp4, $2  }
0x45: {  	_ =	sdelay $0x2  }
0x46: {  	s13 =	sadd.s32 $0x400, s13;
	s15 =	sadd.s32 s15, s11  }
.Ltmp5:
0x47: {  	(pc) =	sbr.rel .LBB2_7-.Ltmp5, $2  }
0x48: {  	_ =	sdelay $0x2  }
0x49: {  	[hbm:s15] =	stream.linear.scatter [tilespmem:s12], [sflag:$0x3], $0x400, $0x38;
	[tilespmem:$0x10200] =	vst v63  }
.LBB2_8:
0x4a: {  	_ =	sfence.sel $0x180000  }
0x4b: {  	s2 =	simm.s32 $0x2;
	[bflag:$0x0] =	sbarrier.arrive $0xFFFF  }
0x4c: {  	s30 =	simm.s32 $0x3;
	[sflag:s2] =	ssyncpa.u1 $0x1  }
0x4d: {  	s31 =	simm.s32 $0x1;
	[sflag:s30] =	ssyncpa.u1 $0x1  }
0x4e: {  	[sflag:s31] =	ssyncpa.u1 $0x1  }
0x4f: {  	p0 =	sne.s32 s1, $0x0;
	_ =	strace $0x90000047  }
0x50: {  	s0 =	sadd.s32 @!p0 $0x100000, s0;
	[bflag:$0x2] =	sbarrier.arrive $0xFFFF  }
0x51: {  	[sflag:s0] =	ssyncadd.tile.s32 @!p0 $0x1;
	_ =	shalt  }
.Lfunc_end2:
_tile_overlayer_lowered:
.L_overlay_start_2:
0x52: {  	(tag) =	ssettag $0x2  }
0x53: {  	s0 =	rddreg [dreg:$0x0];
	s2 =	stileid.u32  }
0x54: {  	s1 =	rddreg [dreg:$0x1];
	p0 =	sne.s32 s2, $0x0  }
0x55: {  	s3 =	rddreg [dreg:$0x2];
	[bflag:$0x3] =	sbarrier.arrive $0xFFFF;
	s2 =	simm.s32 @!p0 $0x1C01  }
0x56: {  	[timem:s3], [sflag:s2] =	dma.local @!p0 [hbm:s0], s1  }
0x57: {  	s0 =	simm.s32 @!p0 $0x1  }
0x58: {  	_ =	swait.ge @!p0 [sflag:s0], s1  }
0x59: {  	s1 =	ssub.s32 @!p0 $0x0, s1;
	[sflag:s0] =	ssyncset.done @!p0 $0x0  }
0x5a: {  	[sflag:s0] =	ssyncadd.s32 @!p0 s1  }
0x5b: {  	[bflag:$0x3] =	sbarrier.arrive $0xFFFF  }
0x5c: {  	_ =	shalt  }

</sc_bundles>
